<compile_context>
chip_gen: v7x
topology: tpu7x:2x2x1
jax: 0.10.2.dev20260603
libtpu: 0.0.44.dev20260713+nightly
codegen_flags: <defaults>
</compile_context>

<pallas_src>
import functools

import jax
import jax.numpy as jnp
from jax import lax
from jax.experimental import pallas as pl
from jax.experimental.pallas import tpu as pltpu
from jax.experimental.pallas import tpu_sc as plsc

D = 32
NC = 2
NS = 16
NW = NC * NS
CHUNK = 1600
NBUF = 2
NSPLIT = 4


@functools.partial(jax.jit, static_argnames=("n_chunks",))
def _sc_gather(idx, table, n_chunks):
    b_per_w = n_chunks * CHUNK
    n_idx = NW * b_per_w
    n_rounds = n_chunks // NBUF
    mesh = plsc.VectorSubcoreMesh(core_axis_name="c", subcore_axis_name="s")

    @functools.partial(
        pl.kernel,
        mesh=mesh,
        out_type=jax.ShapeDtypeStruct((n_idx, D), jnp.float32),
        scratch_types=[
            pltpu.VMEM((b_per_w,), jnp.int32),
            [pltpu.VMEM((CHUNK, D), jnp.float32) for _ in range(NBUF)],
            [pltpu.SemaphoreType.DMA for _ in range(NBUF)],
            [pltpu.SemaphoreType.DMA for _ in range(NBUF)],
        ],
        compiler_params=pltpu.CompilerParams(use_tc_tiling_on_sc=False),
    )
    def k(idx_hbm, table_hbm, out_hbm, idx_v, rows, gsems, ssems):
        wid = lax.axis_index("s") * NC + lax.axis_index("c")
        base = wid * b_per_w
        pltpu.sync_copy(idx_hbm.at[wid], idx_v)

        def gather(j, buf, sem):
            return pltpu.async_copy(
                table_hbm.at[idx_v.at[pl.ds(j * CHUNK, CHUNK)]], buf, sem)

        def store(j, buf, sem):
            pltpu.async_copy(
                buf, out_hbm.at[pl.ds(base + j * CHUNK, CHUNK)], sem)

        def store_wait(j, buf, sem):
            pltpu.make_async_copy(
                buf, out_hbm.at[pl.ds(base + j * CHUNK, CHUNK)], sem).wait()

        def body(t, carry):
            j = NBUF * t
            handles = []
            for b in range(NBUF):

                @pl.when(t > 0)
                def _(b=b):
                    store_wait(j - NBUF + b, rows[b], ssems[b])

                handles.append(gather(j + b, rows[b], gsems[b]))
            for b in range(NBUF):
                handles[b].wait()
                store(j + b, rows[b], ssems[b])
            return carry

        lax.fori_loop(0, n_rounds, body, 0)

        def drain(t, carry):
            j = NBUF * t
            for b in range(NBUF):
                store_wait(j + b, rows[b], ssems[b])
            return carry

        lax.fori_loop(n_rounds - 1, n_rounds, drain, 0)

    return k(idx, table)


def kernel(utts, embedding_weight):
    B, H = utts.shape
    part_rows = B // NSPLIT
    n_chunks = part_rows * H // (NW * CHUNK)
    outs = []
    for p in range(NSPLIT):
        part = utts[p * part_rows:(p + 1) * part_rows]
        idx = part.reshape(NW, n_chunks * CHUNK)
        out = _sc_gather(idx, embedding_weight, n_chunks)
        outs.append(out.reshape(part_rows, H, D))
    return jnp.concatenate(outs, axis=0)

# --- scband reference (transcript-rebuilt; emitter-appended) ---
"""Pipeline reference for scband-embedding-adapter-75634374082596 (READ-ONLY COPY).

The authoritative reference and input builder live on the scoring server;
editing this copy changes nothing except your own understanding.
"""

import jax, jax.numpy as jnp
import numpy as np

VOCAB_SIZE = 1000000
EMBEDDING_SIZE = 32
BATCH = 16384
HIST_LEN = 50


def setup_inputs(seed: int = 0) -> dict:
    key = jax.random.key(seed)
    k_idx, k_emb = jax.random.split(key, 2)
    utts = jax.random.randint(k_idx, (BATCH, HIST_LEN), 0, VOCAB_SIZE, dtype=jnp.int64 if jax.config.read('jax_enable_x64') else jnp.int32)
    utts = utts.astype(jnp.int32)
    # nn.Embedding default init: N(0, 1)
    embedding_weight = jax.random.normal(k_emb, (VOCAB_SIZE, EMBEDDING_SIZE), dtype=jnp.float32)
    return {"utts": utts, "embedding_weight": embedding_weight}


def reference(utts, embedding_weight):
    # utts is integer-typed -> the torch module takes the nn.Embedding path:
    # embs = self.embedding(utts)  == table[utts]
    embs = jnp.take(embedding_weight, utts, axis=0)
    return embs

if __name__ == "__main__":
    import jax
    _d = setup_inputs()
    print(jax.jit(kernel)(*tuple(_d.values())))

</pallas_src>

<mosaic_0001>
#map = affine_map<(d0, d1) -> (0, 0)>
module attributes {stable_mosaic.version = 14 : i64} {
  func.func @k(%arg0: i32, %arg1: i32, %arg2: memref<32x6400xi32, #tpu.memory_space<hbm>>, %arg3: memref<1000000x32xf32, #tpu.memory_space<hbm>>, %arg4: memref<204800x32xf32, #tpu.memory_space<hbm>>, %arg5: memref<6400xi32, #tpu.memory_space<vmem>>, %arg6: memref<1600x32xf32, #tpu.memory_space<vmem>>, %arg7: memref<1600x32xf32, #tpu.memory_space<vmem>>, %arg8: memref<!tpu.dma_semaphore, #tpu.memory_space<semaphore_mem>>, %arg9: memref<!tpu.dma_semaphore, #tpu.memory_space<semaphore_mem>>, %arg10: memref<!tpu.dma_semaphore, #tpu.memory_space<semaphore_mem>>, %arg11: memref<!tpu.dma_semaphore, #tpu.memory_space<semaphore_mem>>) attributes {dimension_semantics = [#tpu.dimension_semantics<core_parallel>, #tpu.dimension_semantics<subcore_parallel>], iteration_bounds = array<i64: 2, 16>, scalar_prefetch = 0 : i64, scratch_operands = 7 : i64, tpu.core_type = #tpu.core_type<sc_vector_subcore>, window_params = [{transform_indices = #map}, {transform_indices = #map}, {transform_indices = #map}]} {
    %mul3A = arith.constant 2 : i32
    %mul3A_0 = arith.muli %arg1, %mul3A : i32
    %add3A = arith.addi %mul3A_0, %arg0 : i32
    %mul3A_1 = arith.constant 6400 : i32
    %mul3A_2 = arith.muli %add3A, %mul3A_1 : i32
    "tpu.region"() ({
      %run_scoped3A = tpu.sem_alloc : memref<!tpu.dma_semaphore, #tpu.memory_space<semaphore_mem>>
      %dma_start3A = arith.constant 0 : i32
      %dma_start3A_30 = tpu.memref_slice %arg2[%add3A, %dma_start3A] : memref<32x6400xi32, #tpu.memory_space<hbm>> -> memref<1x6400xi32, #tpu.memory_space<hbm>>
      %dma_start3A_31 = tpu.memref_squeeze %dma_start3A_30 : memref<1x6400xi32, #tpu.memory_space<hbm>> -> memref<6400xi32, #tpu.memory_space<hbm>>
      %dma_start3A_32 = arith.constant 0 : i32
      %dma_start3A_33 = tpu.memref_slice %arg2[%add3A, %dma_start3A_32] : memref<32x6400xi32, #tpu.memory_space<hbm>> -> memref<1x6400xi32, #tpu.memory_space<hbm>>
      %dma_start3A_34 = tpu.memref_squeeze %dma_start3A_33 : memref<1x6400xi32, #tpu.memory_space<hbm>> -> memref<6400xi32, #tpu.memory_space<hbm>>
      tpu.enqueue_dma source(%dma_start3A_34 : memref<6400xi32, #tpu.memory_space<hbm>>) target(%arg5 : memref<6400xi32, #tpu.memory_space<vmem>>) target_semaphore(%run_scoped3A : memref<!tpu.dma_semaphore, #tpu.memory_space<semaphore_mem>>)
      %dma_wait3A_35 = arith.constant 0 : i32
      %dma_wait3A_36 = tpu.memref_slice %arg2[%add3A, %dma_wait3A_35] : memref<32x6400xi32, #tpu.memory_space<hbm>> -> memref<1x6400xi32, #tpu.memory_space<hbm>>
      %dma_wait3A_37 = tpu.memref_squeeze %dma_wait3A_36 : memref<1x6400xi32, #tpu.memory_space<hbm>> -> memref<6400xi32, #tpu.memory_space<hbm>>
      %dma_wait3A_38 = arith.constant 0 : i32
      %dma_wait3A_39 = tpu.memref_slice %arg2[%add3A, %dma_wait3A_38] : memref<32x6400xi32, #tpu.memory_space<hbm>> -> memref<1x6400xi32, #tpu.memory_space<hbm>>
      %dma_wait3A_40 = tpu.memref_squeeze %dma_wait3A_39 : memref<1x6400xi32, #tpu.memory_space<hbm>> -> memref<6400xi32, #tpu.memory_space<hbm>>
      tpu.wait_dma2 semaphore(%run_scoped3A : memref<!tpu.dma_semaphore, #tpu.memory_space<semaphore_mem>>) src(%dma_wait3A_40 : memref<6400xi32, #tpu.memory_space<hbm>>) dst(%arg5 : memref<6400xi32, #tpu.memory_space<vmem>>)
      tpu.yield
    }) : () -> ()
    %scan3A = arith.constant 0 : i32
    %scan3A_3 = arith.constant 0 : i32
    %scan3A_4 = arith.constant 2 : i32
    %scan3A_5 = arith.addi %scan3A_3, %scan3A_4 : i32
    %scan3A_6 = arith.constant 1 : i32
    scf.for %scan3A_30 = %scan3A_3 to %scan3A_5 step %scan3A_6  : i32 {
      %mul3A_31 = arith.constant 2 : i32
      %mul3A_32 = arith.muli %mul3A_31, %scan3A_30 : i32
      %gt3A = arith.constant 0 : i32
      %gt3A_33 = arith.cmpi sgt, %scan3A_30, %gt3A : i32
      %convert_element_type3A = arith.extui %gt3A_33 : i1 to i32
      %cond3A = arith.constant 0 : i32
      %cond3A_34 = arith.cmpi ne, %convert_element_type3A, %cond3A : i32
      scf.if %cond3A_34 {
        %sub3A = arith.constant 2 : i32
        %sub3A_81 = arith.subi %mul3A_32, %sub3A : i32
        %add3A_82 = arith.constant 0 : i32
        %add3A_83 = arith.addi %sub3A_81, %add3A_82 : i32
        %mul3A_84 = arith.constant 1600 : i32
        %mul3A_85 = arith.muli %add3A_83, %mul3A_84 : i32
        %add3A_86 = arith.addi %mul3A_2, %mul3A_85 : i32
        %dma_wait3A_87 = arith.constant 0 : i32
        %dma_wait3A_88 = tpu.memref_slice %arg4[%add3A_86, %dma_wait3A_87] : memref<204800x32xf32, #tpu.memory_space<hbm>> -> memref<1600x32xf32, #tpu.memory_space<hbm>>
        %dma_wait3A_89 = arith.constant 0 : i32
        %dma_wait3A_90 = tpu.memref_slice %arg4[%add3A_86, %dma_wait3A_89] : memref<204800x32xf32, #tpu.memory_space<hbm>> -> memref<1600x32xf32, #tpu.memory_space<hbm>>
        tpu.wait_dma2 semaphore(%arg10 : memref<!tpu.dma_semaphore, #tpu.memory_space<semaphore_mem>>) src(%arg6 : memref<1600x32xf32, #tpu.memory_space<vmem>>) dst(%dma_wait3A_90 : memref<1600x32xf32, #tpu.memory_space<hbm>>)
      } else {
      }
      %add3A_35 = arith.constant 0 : i32
      %add3A_36 = arith.addi %mul3A_32, %add3A_35 : i32
      %mul3A_37 = arith.constant 1600 : i32
      %mul3A_38 = arith.muli %add3A_36, %mul3A_37 : i32
      %dma_start3A = tpu.memref_slice %arg5[%mul3A_38] : memref<6400xi32, #tpu.memory_space<vmem>> -> memref<1600xi32, #tpu.memory_space<vmem>>
      %dma_start3A_39 = arith.constant 0 : i32
      %dma_start3A_40 = arith.constant 0 : i32
      %dma_start3A_41 = tpu.memref_slice %arg3[%dma_start3A_39, %dma_start3A_40] : memref<1000000x32xf32, #tpu.memory_space<hbm>> -> memref<1000000x32xf32, #tpu.memory_space<hbm>>
      tpu.enqueue_indirect_dma source(%dma_start3A_41 : memref<1000000x32xf32, #tpu.memory_space<hbm>>) target(%arg6 : memref<1600x32xf32, #tpu.memory_space<vmem>>) offsets(%dma_start3A : memref<1600xi32, #tpu.memory_space<vmem>>) semaphore(%arg8 : memref<!tpu.dma_semaphore, #tpu.memory_space<semaphore_mem>>)
      %gt3A_42 = arith.constant 0 : i32
      %gt3A_43 = arith.cmpi sgt, %scan3A_30, %gt3A_42 : i32
      %convert_element_type3A_44 = arith.extui %gt3A_43 : i1 to i32
      %cond3A_45 = arith.constant 0 : i32
      %cond3A_46 = arith.cmpi ne, %convert_element_type3A_44, %cond3A_45 : i32
      scf.if %cond3A_46 {
        %sub3A = arith.constant 2 : i32
        %sub3A_81 = arith.subi %mul3A_32, %sub3A : i32
        %add3A_82 = arith.constant 1 : i32
        %add3A_83 = arith.addi %sub3A_81, %add3A_82 : i32
        %mul3A_84 = arith.constant 1600 : i32
        %mul3A_85 = arith.muli %add3A_83, %mul3A_84 : i32
        %add3A_86 = arith.addi %mul3A_2, %mul3A_85 : i32
        %dma_wait3A_87 = arith.constant 0 : i32
        %dma_wait3A_88 = tpu.memref_slice %arg4[%add3A_86, %dma_wait3A_87] : memref<204800x32xf32, #tpu.memory_space<hbm>> -> memref<1600x32xf32, #tpu.memory_space<hbm>>
        %dma_wait3A_89 = arith.constant 0 : i32
        %dma_wait3A_90 = tpu.memref_slice %arg4[%add3A_86, %dma_wait3A_89] : memref<204800x32xf32, #tpu.memory_space<hbm>> -> memref<1600x32xf32, #tpu.memory_space<hbm>>
        tpu.wait_dma2 semaphore(%arg11 : memref<!tpu.dma_semaphore, #tpu.memory_space<semaphore_mem>>) src(%arg7 : memref<1600x32xf32, #tpu.memory_space<vmem>>) dst(%dma_wait3A_90 : memref<1600x32xf32, #tpu.memory_space<hbm>>)
      } else {
      }
      %add3A_47 = arith.constant 1 : i32
      %add3A_48 = arith.addi %mul3A_32, %add3A_47 : i32
      %mul3A_49 = arith.constant 1600 : i32
      %mul3A_50 = arith.muli %add3A_48, %mul3A_49 : i32
      %dma_start3A_51 = tpu.memref_slice %arg5[%mul3A_50] : memref<6400xi32, #tpu.memory_space<vmem>> -> memref<1600xi32, #tpu.memory_space<vmem>>
      %dma_start3A_52 = arith.constant 0 : i32
      %dma_start3A_53 = arith.constant 0 : i32
      %dma_start3A_54 = tpu.memref_slice %arg3[%dma_start3A_52, %dma_start3A_53] : memref<1000000x32xf32, #tpu.memory_space<hbm>> -> memref<1000000x32xf32, #tpu.memory_space<hbm>>
      tpu.enqueue_indirect_dma source(%dma_start3A_54 : memref<1000000x32xf32, #tpu.memory_space<hbm>>) target(%arg7 : memref<1600x32xf32, #tpu.memory_space<vmem>>) offsets(%dma_start3A_51 : memref<1600xi32, #tpu.memory_space<vmem>>) semaphore(%arg9 : memref<!tpu.dma_semaphore, #tpu.memory_space<semaphore_mem>>)
      %dma_wait3A_55 = tpu.memref_slice %arg5[%mul3A_38] : memref<6400xi32, #tpu.memory_space<vmem>> -> memref<1600xi32, #tpu.memory_space<vmem>>
      %dma_wait3A_56 = arith.constant 0 : i32
      %dma_wait3A_57 = arith.constant 0 : i32
      %dma_wait3A_58 = tpu.memref_slice %arg3[%dma_wait3A_56, %dma_wait3A_57] : memref<1000000x32xf32, #tpu.memory_space<hbm>> -> memref<1000000x32xf32, #tpu.memory_space<hbm>>
      tpu.wait_indirect_dma semaphore(%arg8 : memref<!tpu.dma_semaphore, #tpu.memory_space<semaphore_mem>>) src(%dma_wait3A_58 : memref<1000000x32xf32, #tpu.memory_space<hbm>>) dst(%arg6 : memref<1600x32xf32, #tpu.memory_space<vmem>>)
      %add3A_59 = arith.constant 0 : i32
      %add3A_60 = arith.addi %mul3A_32, %add3A_59 : i32
      %mul3A_61 = arith.constant 1600 : i32
      %mul3A_62 = arith.muli %add3A_60, %mul3A_61 : i32
      %add3A_63 = arith.addi %mul3A_2, %mul3A_62 : i32
      %dma_start3A_64 = arith.constant 0 : i32
      %dma_start3A_65 = tpu.memref_slice %arg4[%add3A_63, %dma_start3A_64] : memref<204800x32xf32, #tpu.memory_space<hbm>> -> memref<1600x32xf32, #tpu.memory_space<hbm>>
      %dma_start3A_66 = arith.constant 0 : i32
      %dma_start3A_67 = tpu.memref_slice %arg4[%add3A_63, %dma_start3A_66] : memref<204800x32xf32, #tpu.memory_space<hbm>> -> memref<1600x32xf32, #tpu.memory_space<hbm>>
      tpu.enqueue_dma source(%arg6 : memref<1600x32xf32, #tpu.memory_space<vmem>>) target(%dma_start3A_67 : memref<1600x32xf32, #tpu.memory_space<hbm>>) target_semaphore(%arg10 : memref<!tpu.dma_semaphore, #tpu.memory_space<semaphore_mem>>)
      %dma_wait3A_68 = tpu.memref_slice %arg5[%mul3A_50] : memref<6400xi32, #tpu.memory_space<vmem>> -> memref<1600xi32, #tpu.memory_space<vmem>>
      %dma_wait3A_69 = arith.constant 0 : i32
      %dma_wait3A_70 = arith.constant 0 : i32
      %dma_wait3A_71 = tpu.memref_slice %arg3[%dma_wait3A_69, %dma_wait3A_70] : memref<1000000x32xf32, #tpu.memory_space<hbm>> -> memref<1000000x32xf32, #tpu.memory_space<hbm>>
      tpu.wait_indirect_dma semaphore(%arg9 : memref<!tpu.dma_semaphore, #tpu.memory_space<semaphore_mem>>) src(%dma_wait3A_71 : memref<1000000x32xf32, #tpu.memory_space<hbm>>) dst(%arg7 : memref<1600x32xf32, #tpu.memory_space<vmem>>)
      %add3A_72 = arith.constant 1 : i32
      %add3A_73 = arith.addi %mul3A_32, %add3A_72 : i32
      %mul3A_74 = arith.constant 1600 : i32
      %mul3A_75 = arith.muli %add3A_73, %mul3A_74 : i32
      %add3A_76 = arith.addi %mul3A_2, %mul3A_75 : i32
      %dma_start3A_77 = arith.constant 0 : i32
      %dma_start3A_78 = tpu.memref_slice %arg4[%add3A_76, %dma_start3A_77] : memref<204800x32xf32, #tpu.memory_space<hbm>> -> memref<1600x32xf32, #tpu.memory_space<hbm>>
      %dma_start3A_79 = arith.constant 0 : i32
      %dma_start3A_80 = tpu.memref_slice %arg4[%add3A_76, %dma_start3A_79] : memref<204800x32xf32, #tpu.memory_space<hbm>> -> memref<1600x32xf32, #tpu.memory_space<hbm>>
      tpu.enqueue_dma source(%arg7 : memref<1600x32xf32, #tpu.memory_space<vmem>>) target(%dma_start3A_80 : memref<1600x32xf32, #tpu.memory_space<hbm>>) target_semaphore(%arg11 : memref<!tpu.dma_semaphore, #tpu.memory_space<semaphore_mem>>)
    }
    %scan3A_7 = arith.constant 2 : i32
    %scan3A_8 = arith.constant 0 : i32
    %scan3A_9 = arith.constant 1 : i32
    %mul3A_10 = arith.constant 2 : i32
    %mul3A_11 = arith.muli %mul3A_10, %scan3A_9 : i32
    %add3A_12 = arith.constant 0 : i32
    %add3A_13 = arith.addi %mul3A_11, %add3A_12 : i32
    %mul3A_14 = arith.constant 1600 : i32
    %mul3A_15 = arith.muli %add3A_13, %mul3A_14 : i32
    %add3A_16 = arith.addi %mul3A_2, %mul3A_15 : i32
    %dma_wait3A = arith.constant 0 : i32
    %dma_wait3A_17 = tpu.memref_slice %arg4[%add3A_16, %dma_wait3A] : memref<204800x32xf32, #tpu.memory_space<hbm>> -> memref<1600x32xf32, #tpu.memory_space<hbm>>
    %dma_wait3A_18 = arith.constant 0 : i32
    %dma_wait3A_19 = tpu.memref_slice %arg4[%add3A_16, %dma_wait3A_18] : memref<204800x32xf32, #tpu.memory_space<hbm>> -> memref<1600x32xf32, #tpu.memory_space<hbm>>
    tpu.wait_dma2 semaphore(%arg10 : memref<!tpu.dma_semaphore, #tpu.memory_space<semaphore_mem>>) src(%arg6 : memref<1600x32xf32, #tpu.memory_space<vmem>>) dst(%dma_wait3A_19 : memref<1600x32xf32, #tpu.memory_space<hbm>>)
    %add3A_20 = arith.constant 1 : i32
    %add3A_21 = arith.addi %mul3A_11, %add3A_20 : i32
    %mul3A_22 = arith.constant 1600 : i32
    %mul3A_23 = arith.muli %add3A_21, %mul3A_22 : i32
    %add3A_24 = arith.addi %mul3A_2, %mul3A_23 : i32
    %dma_wait3A_25 = arith.constant 0 : i32
    %dma_wait3A_26 = tpu.memref_slice %arg4[%add3A_24, %dma_wait3A_25] : memref<204800x32xf32, #tpu.memory_space<hbm>> -> memref<1600x32xf32, #tpu.memory_space<hbm>>
    %dma_wait3A_27 = arith.constant 0 : i32
    %dma_wait3A_28 = tpu.memref_slice %arg4[%add3A_24, %dma_wait3A_27] : memref<204800x32xf32, #tpu.memory_space<hbm>> -> memref<1600x32xf32, #tpu.memory_space<hbm>>
    tpu.wait_dma2 semaphore(%arg11 : memref<!tpu.dma_semaphore, #tpu.memory_space<semaphore_mem>>) src(%arg7 : memref<1600x32xf32, #tpu.memory_space<vmem>>) dst(%dma_wait3A_28 : memref<1600x32xf32, #tpu.memory_space<hbm>>)
    %scan3A_29 = arith.constant 1 : i32
    return
  }
}

</mosaic_0001>

<sc_bundles>
// kernel: _sc_gather.3.cloned.1.call-start
scs
__scs_entry_jumppad:
0x0: {  	(pc) =	sbr.rel $0x88, $3  }
0x1: {  	(tag) =	ssettag $0x0;
	lr =	simm.s32 $0x1  }
0x2: {  	[smem:$0x3F9F] =	sst lr;
	_ =	strace $0xD0000000  }
0x3: {  	_ = 	snop  }
0x4: {  	_ = 	snop  }
0x5: {  	_ = 	snop  }
0x6: {  	_ = 	snop  }
0x7: {  	_ = 	snop  }
__scs_overlays_trampoline_lowered:
0x8: {  	[smem:$0x3FAE] =	sst s0  }
0x9: {  	[smem:$0x3FAF] =	sst s1  }
0xa: {  	[smem:$0x3FB0] =	sst s2  }
0xb: {  	[smem:$0x3FB1] =	sst s3  }
0xc: {  	[smem:$0x3FB2] =	sst s4  }
0xd: {  	[smem:$0x3FB3] =	sst s5  }
0xe: {  	[smem:$0x3FB4] =	sst s6  }
0xf: {  	[smem:$0x3FB5] =	sst s7  }
0x10: {  	[smem:$0x3FB6] =	sst s8  }
0x11: {  	[smem:$0x3FB7] =	sst s9;
	s0 =	simm.s32 @!p0 $0x0  }
0x12: {  	s1 =	sld [smem:$0x3F9D];
	s0 =	simm.s32 @p0 $0x1  }
0x13: {  	[smem:$0x3FB8] =	sst s0;
	s0 =	simm.s32 @!p1 $0x0  }
0x14: {  	s2 =	sld [smem:$0x3F9C];
	s0 =	simm.s32 @p1 $0x1  }
0x15: {  	[smem:$0x3FB9] =	sst s0;
	s0 =	simm.s32 @!p2 $0x0  }
0x16: {  	s3 =	sld [smem:$0x3FDB];
	s0 =	simm.s32 @p2 $0x1  }
0x17: {  	s4 =	simm.s32 $0x1BF5;
	[smem:$0x3FBB] =	sst s0  }
0x18: {  	s0 =	sld [smem:$0x3F9E];
	_ =	swait.ge [sflag:s4], $0x0  }
0x19: {  	s7 =	sld [smem:$0x3F9F]  }
0x1a: {  	s8 =	sadd.s32 $0xFFFFE003, lr  }
0x1b: {  	s9 =	sadd.s32 $0xFFFFFEF7, lr;
	s5 =	simm.s32 $0xFFFFFFFF;
	p2 =	slt.u32 s8, $0xFFFFF086  }
0x1c: {  	p1 =	slt.u32 s9, $0xF7A;
	s5 =	simm.s32 @!p2 $0x0  }
0x1d: {  	s5 =	simm.s32 @p1 $0x1;
	p0 =	seq.s32 s7, s2  }
0x1e: {  	s7 =	smul.u32 @!p0 $0xF7A, s2;
	p2 =	seq.s32 @!p0 s5, $0x0  }
0x1f: {  	s9 =	smul.u32 $0xF7A, s1;
	s8 =	simm.s32 @!p0 $0x1BF5;
	p2 =	por !p2, p0  }
0x20: {  	[sflag:s8] =	ssyncset.s32 @!p0 $0xFFFFF086;
	s6 =	sadd.s32 @!p0 s3, s7;
	s7 =	simm.s32 @!p0 $0x108  }
0x21: {  	s3 =	sadd.s32 s3, s9;
	s6 =	sadd.s32 @!p0 $0x88, s6;
	s7 =	simm.s32 @p2 $0x1082  }
0x22: {  	[simem:s7], [sflag:s8] =	dma.local @!p0 [hbm:s6], $0xF7A  }
0x23: {  	s9 =	sor.u32 $0xD0000000, s2;
	s6 =	simm.s32 $0x108;
	_ =	swait.ge @!p0 [sflag:s8], $0x0  }
0x24: {  	s3 =	sadd.s32 $0x88, s3;
	s6 =	simm.s32 @!p1 $0x1082;
	[sflag:s4] =	ssyncset.s32 $0xFFFFF086  }
0x25: {  	[simem:s6], [sflag:s4] =	dma.local [hbm:s3], $0xF7A  }
0x26: {  	[smem:$0x3F9F] =	sst s1;
	(tag) =	ssettag s2;
	_ =	strace s9  }
0x27: {  	s1 =	sld [smem:$0x3FAF]  }
0x28: {  	s2 =	sld [smem:$0x3FB0]  }
0x29: {  	s4 =	sld [smem:$0x3FB2]  }
0x2a: {  	p0 =	seq.s32 s5, $0x0;
	s5 =	sld [smem:$0x3FB3]  }
0x2b: {  	s6 =	sld [smem:$0x3FB4]  }
0x2c: {  	s7 =	sld [smem:$0x3FB5]  }
0x2d: {  	s3 =	simm.s32 $0x108;
	s8 =	sld [smem:$0x3FB6]  }
0x2e: {  	s3 =	simm.s32 @!p0 $0x1082;
	s9 =	sld [smem:$0x3FB7]  }
0x2f: {  	lr =	sadd.s32 s0, s3;
	s0 =	sld [smem:$0x3FAE]  }
0x30: {  	s3 =	sld [smem:$0x3FB1]  }
0x31: {  	[smem:$0x3FBA] =	sst s10  }
0x32: {  	s10 =	sld [smem:$0x3FB8];
	_ =	sdelay $0x3  }
0x33: {  	p0 =	seq.s32 s10, $0x1;
	s10 =	sld [smem:$0x3FBA];
	_ =	sdelay $0x3  }
0x34: {  	[smem:$0x3FBA] =	sst s10  }
0x35: {  	s10 =	sld [smem:$0x3FB9];
	_ =	sdelay $0x3  }
0x36: {  	p1 =	seq.s32 s10, $0x1;
	s10 =	sld [smem:$0x3FBA];
	_ =	sdelay $0x3  }
0x37: {  	[smem:$0x3FBA] =	sst s10  }
0x38: {  	s10 =	sld [smem:$0x3FBB]  }
0x39: {  	_ = 	snop;
	(pc) =	sbr.ind lr, $3  }
0x3a: {  	_ = 	snop  }
0x3b: {  	_ = 	snop  }
0x3c: {  	p2 =	seq.s32 s10, $0x1;
	s10 =	sld [smem:$0x3FBA]  }
0x3d: {  	_ =	shalt  }
0x3e: {  	_ =	shalt  }
0x3f: {  	_ =	shalt  }
0x40: {  	_ =	shalt  }
0x41: {  	_ =	shalt  }
0x42: {  	_ =	shalt  }
0x43: {  	_ =	shalt  }
0x44: {  	_ =	shalt  }
0x45: {  	_ =	shalt  }
0x46: {  	_ =	shalt  }
0x47: {  	_ =	shalt  }
0x48: {  	_ =	shalt  }
0x49: {  	_ =	shalt  }
0x4a: {  	_ =	shalt  }
0x4b: {  	_ =	shalt  }
0x4c: {  	_ =	shalt  }
0x4d: {  	_ =	shalt  }
0x4e: {  	_ =	shalt  }
0x4f: {  	_ =	shalt  }
0x50: {  	_ =	shalt  }
0x51: {  	_ =	shalt  }
0x52: {  	_ =	shalt  }
0x53: {  	_ =	shalt  }
0x54: {  	_ =	shalt  }
0x55: {  	_ =	shalt  }
0x56: {  	_ =	shalt  }
0x57: {  	_ =	shalt  }
0x58: {  	_ =	shalt  }
0x59: {  	_ =	shalt  }
0x5a: {  	_ =	shalt  }
0x5b: {  	_ =	shalt  }
0x5c: {  	_ =	shalt  }
0x5d: {  	_ =	shalt  }
0x5e: {  	_ =	shalt  }
0x5f: {  	_ =	shalt  }
0x60: {  	_ =	shalt  }
0x61: {  	_ =	shalt  }
0x62: {  	_ =	shalt  }
0x63: {  	_ =	shalt  }
0x64: {  	_ =	shalt  }
0x65: {  	_ =	shalt  }
0x66: {  	_ =	shalt  }
0x67: {  	_ =	shalt  }
0x68: {  	_ =	shalt  }
0x69: {  	_ =	shalt  }
0x6a: {  	_ =	shalt  }
0x6b: {  	_ =	shalt  }
0x6c: {  	_ =	shalt  }
0x6d: {  	_ =	shalt  }
0x6e: {  	_ =	shalt  }
0x6f: {  	_ =	shalt  }
0x70: {  	_ =	shalt  }
0x71: {  	_ =	shalt  }
0x72: {  	_ =	shalt  }
0x73: {  	_ =	shalt  }
0x74: {  	_ =	shalt  }
0x75: {  	_ =	shalt  }
0x76: {  	_ =	shalt  }
0x77: {  	_ =	shalt  }
0x78: {  	_ =	shalt  }
0x79: {  	_ =	shalt  }
0x7a: {  	_ =	shalt  }
0x7b: {  	_ =	shalt  }
0x7c: {  	_ =	shalt  }
0x7d: {  	_ =	shalt  }
0x7e: {  	_ =	shalt  }
0x7f: {  	_ =	shalt  }
0x80: {  	_ =	shalt  }
0x81: {  	_ =	shalt  }
0x82: {  	_ =	shalt  }
0x83: {  	_ =	shalt  }
0x84: {  	_ =	shalt  }
0x85: {  	_ =	shalt  }
0x86: {  	_ =	shalt  }
0x87: {  	_ =	shalt  }
.Lfunc_end0:
.L_simem_size_0:
called_computation_lowered:
.L_overlay_start_0:
0x88: {  	s2 =	sld [smem:$0x3FD9]  }
0x89: {  	s3 =	sld [smem:$0x3FFE];
	_ =	sdelay $0x1  }
0x8a: {  	s1 =	srdreg.scid  }
0x8b: {  	s0 =	sand.u32 $0x1, s1  }
0x8c: {  	s17 =	sshll.u32 s0, $0xA;
	s2 =	sadd.s32 s3, s2  }
0x8d: {  	s2 =	sadd.s32 s2, s17  }
0x8e: {  	[smem:$0x3FC6] =	sst s2  }
0x8f: {  	_ = 	snop  }
0x90: {  	s2 =	sld [smem:$0x3FD0];
	(tm) =	ssettm $0x1  }
0x91: {  	s18 =	sld [smem:$0x3FFB];
	_ =	sdelay $0x3  }
0x92: {  	_ =	strace s18  }
0x93: {  	s3 =	sld [smem:$0x3FFC];
	_ =	sdelay $0x3  }
0x94: {  	_ =	strace s3  }
0x95: {  	s3 =	sld [smem:$0x3FFD];
	_ =	sdelay $0x3  }
0x96: {  	_ =	strace s3  }
0x97: {  	_ =	strace $0x8FFFFFFF  }
0x98: {  	s19 =	sld [smem:$0x3FDB];
	_ =	sdelay $0x1  }
0x99: {  	s4 =	simm.s32 $_scs_section_size  }
0x9a: {  	s5 =	simm.s32 $_size__tile_overlayer_lowered;
	s6 =	simm.s32 $_tile_overlayer_lowered  }
0x9b: {  	s22 =	simm.s32 $0x1BFF;
	s21 =	sshll.u32 s6, $0x1;
	s3 =	sadd.s32 s4, s19  }
0x9c: {  	s7 =	simm.s32 $0x0;
	s20 =	sshll.u32 s5, $0x1;
	s5 =	sadd.s32 s21, s3  }
0x9d: {  	[timem:s7], [sflag:s22] =	dma.local [hbm:s5], s20  }
0x9e: {  	_ =	swait.ge [sflag:s22], s20  }
0x9f: {  	s4 =	ssub.s32 $0x0, s20;
	[sflag:s22] =	ssyncset.done $0x0  }
0xa0: {  	[sflag:s22] =	ssyncadd.s32 s4;
	_ =	sdelay $0x1  }
0xa1: {  	s23 =	simm.s32 $0x1B8B  }
0xa2: {  	_ =	swait.ge [sflag:s23], $0x1  }
0xa3: {  	[sflag:s23] =	ssyncset.done $0x0  }
0xa4: {  	s25 =	simm.s32 $0x1B8E;
	s24 =	sld [smem:$0x3FFE];
	[sflag:s23] =	ssyncadd.s32 $0xFFFFFFFF  }
0xa5: {  	s26 =	simm.s32 $execute0_lowered;
	[smem:$0x3FD2] =	sst s25  }
0xa6: {  	s5 =	sshll.u32 s26, $0x1;
	_ =	strace $0x80000046;
	[dreg:$0x1] =	wrdreg $0xFFFFFFFF  }
0xa7: {  	s28 =	simm.s32 $_size_execute0_lowered;
	s3 =	sadd.s32 s3, s5;
	[dreg:$0x0] =	wrdreg $0x0  }
0xa8: {  	s5 =	sshll.u32 s28, $0x1;
	[dreg:$0x2] =	wrdreg s3  }
0xa9: {  	[dreg:$0x3] =	wrdreg s5  }
0xaa: {  	[dreg:$0x4] =	wrdreg $0xC0  }
0xab: {  	_ =	task [dreg:s7], $0x5FFFF  }
0xac: {  	[dreg:$0x1] =	wrdreg $0xFFFFFFFF  }
0xad: {  	[dreg:$0x0] =	wrdreg $0x60  }
0xae: {  	[dreg:$0x2] =	wrdreg s24  }
0xaf: {  	[dreg:$0x3] =	wrdreg s2  }
0xb0: {  	[dreg:$0x4] =	wrdreg $0x9  }
0xb1: {  	_ =	task.clear_ibuf [dreg:s7], $0x5FFFF;
	_ =	strace $0x90000046  }
0xb2: {  	s29 =	simm.s32 $0x9;
	_ =	strace $0x80000048  }
0xb3: {  	_ =	swait.ge [sflag:s29], $0x1  }
0xb4: {  	[sflag:s29] =	ssyncadd.s32 $0xFFFFFFFF  }
0xb5: {  	_ =	strace $0x90000048  }
0xb6: {  	_ =	sfence  }
0xb7: {  	s30 =	sld [smem:$0x0];
	_ =	sdelay $0x2  }
0xb8: {  	s31 =	sshll.u32 s1, $0xD;
	s1 =	sshrl.u32 s1, $0x2  }
0xb9: {  	s3 =	sand.u32 $0x4000, s31;
	s1 =	sadd.s32 s1, s30  }
0xba: {  	s0 =	sor.u32 s3, s0;
	s1 =	sshll.u32 s1, $0x11  }
0xbb: {  	s0 =	sor.u32 s1, s0  }
0xbc: {  	s0 =	sadd.s32 $0x8F2B, s0  }
0xbd: {  	[sflag:s0] =	ssyncadd.remote.s32 $0x1  }
0xbe: {  	_ =	sfence.sel $0xFFFF  }
0xbf: {  	[dreg:$0x0] =	wrdreg $0xFFFFFFFF;
	(pc) =	sbr.abs _section_cstart, $3  }
0xc0: {  	[dreg:$0x1] =	wrdreg $0xFFFFFFFF  }
0xc1: {  	_ =	task.clear_ibuf [dreg:s7], $0x2FFFF;
	_ =	strace $0x9FFFFFFF  }
0xc2: {  	(tm) =	ssettm $0x7FFFFFFF  }
0xc3: {  	_ =	shalt  }
tec
execute0_lowered:
.L_overlay_start_1:
0x0: {  	(tag) =	ssettag $0x1  }
0x1: {  	s1 =	srdreg.scid;
	s0 =	stileid.u32  }
0x2: {  	s18 =	sand.u32 $0x1, s1;
	s31 =	sshll.u32 s0, $0x1  }
0x3: {  	s10 =	sor.u32 s18, s31  }
0x4: {  	s5 =	rddreg [dreg:$0x0];
	s3 =	smul.u32 $0x320, s10  }
0x5: {  	s11 =	rddreg [dreg:$0x1];
	s2 =	simm.s32 $0x0  }
0x6: {  	s4 =	simm.s32 $0x5;
	[smem:$0x7FF] =	sst s2;
	s3 =	sadd.s32 s3, s5  }
0x7: {  	s1 =	rddreg [dreg:$0x2];
	_ =	strace $0x80000047;
	s3 =	sadd.s32 $0x600, s3  }
0x8: {  	[tilespmem:s2], [sflag:$0x5] =	stream.linear.gather [hbm4b:s3+s2], $0x1900, $0x38;
	[tilespmem:$0x1A900] =	vst v63  }
0x9: {  	_ =	swait.ge [sflag:s4], $0x1900  }
0xa: {  	s6 =	simm.s32 $0x640;
	[sflag:s4] =	ssyncset.done $0x0  }
0xb: {  	s7 =	simm.s32 $0x1900;
	s5 =	sadd.s32 $0xF42A00, s5;
	[sflag:s4] =	ssyncadd.s32 $0xFFFFE700  }
0xc: {  	[tilespmem:s7], [sflag:$0x1] =	stream.indirect.gather [hbm4b:s5+s6], $0x20, s2, s6, $0xb8;
	[tilespmem:$0x1A900] =	vst v63  }
0xd: {  	s8 =	simm.s32 $0xE100;
	s9 =	simm.s32 $0x1  }
0xe: {  	[tilespmem:s8], [sflag:$0x2] =	stream.indirect.gather [hbm4b:s5+s6], $0x20, s6, s6, $0xb8;
	[tilespmem:$0x1A900] =	vst v63  }
0xf: {  	s10 =	smul.u32 $0x6400, s10;
	_ =	swait.ge [sflag:s9], $0xC800  }
0x10: {  	[sflag:s9] =	ssyncset.done $0x0  }
0x11: {  	s10 =	sadd.s32 s11, s10;
	s11 =	simm.s32 $0x2;
	[sflag:s9] =	ssyncadd.s32 $0xFFFF3800  }
0x12: {  	[hbm4b:s10+s2] =	stream.linear.scatter [tilespmem:s7], [sflag:$0x3], $0xC800, $0x38;
	[tilespmem:$0x1A900] =	vst v63  }
0x13: {  	_ =	swait.ge [sflag:s11], $0xC800  }
0x14: {  	[sflag:s11] =	ssyncset.done $0x0  }
0x15: {  	s13 =	simm.s32 $0x3;
	s12 =	sadd.s32 $0x1900, s10;
	[sflag:s11] =	ssyncadd.s32 $0xFFFF3800  }
0x16: {  	[hbm4b:s12+s2] =	stream.linear.scatter [tilespmem:s8], [sflag:$0x4], $0xC800, $0x38;
	[tilespmem:$0x1A900] =	vst v63  }
0x17: {  	_ =	swait.ge [sflag:s13], $0xC800  }
0x18: {  	[sflag:s13] =	ssyncset.done $0x0  }
0x19: {  	s15 =	simm.s32 $0xC80;
	s14 =	simm.s32 $0x4;
	[sflag:s13] =	ssyncadd.s32 $0xFFFF3800  }
0x1a: {  	[tilespmem:s7], [sflag:$0x1] =	stream.indirect.gather [hbm4b:s5+s6], $0x20, s15, s6, $0xb8;
	[tilespmem:$0x1A900] =	vst v63  }
0x1b: {  	_ =	swait.ge [sflag:s14], $0xC800  }
0x1c: {  	[sflag:s14] =	ssyncset.done $0x0  }
0x1d: {  	s16 =	simm.s32 $0x12C0;
	[sflag:s14] =	ssyncadd.s32 $0xFFFF3800  }
0x1e: {  	[tilespmem:s8], [sflag:$0x2] =	stream.indirect.gather [hbm4b:s5+s6], $0x20, s16, s6, $0xb8;
	[tilespmem:$0x1A900] =	vst v63  }
0x1f: {  	_ =	swait.ge [sflag:s9], $0xC800  }
0x20: {  	s19 =	ssub.s32 $0x2, s18;
	[sflag:s9] =	ssyncset.done $0x0  }
0x21: {  	s20 =	sshrl.u32 s19, $0x1;
	s17 =	sadd.s32 $0x3200, s10;
	[sflag:s9] =	ssyncadd.s32 $0xFFFF3800  }
0x22: {  	[hbm4b:s17+s2] =	stream.linear.scatter [tilespmem:s7], [sflag:$0x3], $0xC800, $0x38;
	[tilespmem:$0x1A900] =	vst v63  }
0x23: {  	s19 =	ssub.s32 s19, s20;
	_ =	swait.ge [sflag:s11], $0xC800  }
0x24: {  	s19 =	smax.u32 s19, $0x1;
	[sflag:s11] =	ssyncset.done $0x0  }
0x25: {  	s18 =	sadd.s32 $0x4B00, s10;
	p0 =	sne.s32 s19, $0x1;
	[sflag:s11] =	ssyncadd.s32 $0xFFFF3800  }
0x26: {  	[hbm4b:s18+s2] =	stream.linear.scatter [tilespmem:s8], [sflag:$0x4], $0xC800, $0x38;
	[tilespmem:$0x1A900] =	vst v63  }
.Ltmp0:
0x27: {  	_ =	swait.ge [sflag:s13], $0xC800;
	(pc) =	sbr.rel @!p0 .LBB2_2-.Ltmp0, $4  }
0x28: {  	[sflag:s13] =	ssyncset.done $0x0  }
0x29: {  	[sflag:s13] =	ssyncadd.s32 $0xFFFF3800  }
0x2a: {  	_ =	swait.ge [sflag:s14], $0xC800  }
0x2b: {  	s19 =	sadd.s32 $0xFFFFFFFF, s19;
	[sflag:s14] =	ssyncset.done $0x0  }
.LBB2_1:
0x2c: {  	p0 =	sne.s32 s19, $0x1;
	s19 =	sadd.s32 $0xFFFFFFFF, s19;
	[sflag:s14] =	ssyncadd.s32 $0xFFFF3800  }
0x2d: {  	[tilespmem:s2], [sflag:$0x5] =	stream.linear.gather [hbm4b:s3+s2], $0x1900, $0x38;
	[tilespmem:$0x1A900] =	vst v63  }
0x2e: {  	_ =	swait.ge [sflag:s4], $0x1900  }
0x2f: {  	[sflag:s4] =	ssyncset.done $0x0  }
0x30: {  	[sflag:s4] =	ssyncadd.s32 $0xFFFFE700  }
0x31: {  	[tilespmem:s7], [sflag:$0x1] =	stream.indirect.gather [hbm4b:s5+s6], $0x20, s2, s6, $0xb8;
	[tilespmem:$0x1A900] =	vst v63  }
0x32: {  	_ = 	snop  }
0x33: {  	[tilespmem:s8], [sflag:$0x2] =	stream.indirect.gather [hbm4b:s5+s6], $0x20, s6, s6, $0xb8;
	[tilespmem:$0x1A900] =	vst v63  }
0x34: {  	_ =	swait.ge [sflag:s9], $0xC800  }
0x35: {  	[sflag:s9] =	ssyncset.done $0x0  }
0x36: {  	[sflag:s9] =	ssyncadd.s32 $0xFFFF3800  }
0x37: {  	[hbm4b:s10+s2] =	stream.linear.scatter [tilespmem:s7], [sflag:$0x3], $0xC800, $0x38;
	[tilespmem:$0x1A900] =	vst v63  }
0x38: {  	_ =	swait.ge [sflag:s11], $0xC800  }
0x39: {  	[sflag:s11] =	ssyncset.done $0x0  }
0x3a: {  	[sflag:s11] =	ssyncadd.s32 $0xFFFF3800  }
0x3b: {  	[hbm4b:s12+s2] =	stream.linear.scatter [tilespmem:s8], [sflag:$0x4], $0xC800, $0x38;
	[tilespmem:$0x1A900] =	vst v63  }
0x3c: {  	_ =	swait.ge [sflag:s13], $0xC800  }
0x3d: {  	[sflag:s13] =	ssyncset.done $0x0  }
0x3e: {  	[sflag:s13] =	ssyncadd.s32 $0xFFFF3800  }
0x3f: {  	[tilespmem:s7], [sflag:$0x1] =	stream.indirect.gather [hbm4b:s5+s6], $0x20, s15, s6, $0xb8;
	[tilespmem:$0x1A900] =	vst v63  }
0x40: {  	_ =	swait.ge [sflag:s14], $0xC800  }
0x41: {  	[sflag:s14] =	ssyncset.done $0x0  }
0x42: {  	[sflag:s14] =	ssyncadd.s32 $0xFFFF3800  }
0x43: {  	[tilespmem:s8], [sflag:$0x2] =	stream.indirect.gather [hbm4b:s5+s6], $0x20, s16, s6, $0xb8;
	[tilespmem:$0x1A900] =	vst v63  }
0x44: {  	_ =	swait.ge [sflag:s9], $0xC800  }
0x45: {  	[sflag:s9] =	ssyncset.done $0x0  }
0x46: {  	[sflag:s9] =	ssyncadd.s32 $0xFFFF3800  }
0x47: {  	[hbm4b:s17+s2] =	stream.linear.scatter [tilespmem:s7], [sflag:$0x3], $0xC800, $0x38;
	[tilespmem:$0x1A900] =	vst v63  }
0x48: {  	_ =	swait.ge [sflag:s11], $0xC800  }
0x49: {  	[sflag:s11] =	ssyncset.done $0x0  }
0x4a: {  	[sflag:s11] =	ssyncadd.s32 $0xFFFF3800  }
0x4b: {  	[hbm4b:s18+s2] =	stream.linear.scatter [tilespmem:s8], [sflag:$0x4], $0xC800, $0x38;
	[tilespmem:$0x1A900] =	vst v63  }
.Ltmp1:
0x4c: {  	_ =	swait.ge [sflag:s13], $0xC800;
	(pc) =	sbr.rel @p0 .LBB2_1-.Ltmp1, $4  }
0x4d: {  	[sflag:s13] =	ssyncset.done $0x0  }
0x4e: {  	[sflag:s13] =	ssyncadd.s32 $0xFFFF3800  }
0x4f: {  	_ =	swait.ge [sflag:s14], $0xC800  }
0x50: {  	[sflag:s14] =	ssyncset.done $0x0  }
.LBB2_2:
0x51: {  	[sflag:s14] =	ssyncadd.s32 $0xFFFF3800  }
0x52: {  	_ =	sfence.sel $0x180000  }
0x53: {  	[bflag:$0x0] =	sbarrier.arrive $0xFFFF  }
0x54: {  	p0 =	sne.s32 s0, $0x0;
	_ =	strace $0x90000047  }
0x55: {  	s0 =	sadd.s32 @!p0 $0x100000, s1;
	[bflag:$0x2] =	sbarrier.arrive $0xFFFF  }
0x56: {  	[sflag:s0] =	ssyncadd.tile.s32 @!p0 $0x1;
	_ =	shalt  }
.Lfunc_end2:
_tile_overlayer_lowered:
.L_overlay_start_2:
0x57: {  	(tag) =	ssettag $0x2  }
0x58: {  	s0 =	rddreg [dreg:$0x0];
	s2 =	stileid.u32  }
0x59: {  	s1 =	rddreg [dreg:$0x1];
	p0 =	sne.s32 s2, $0x0  }
0x5a: {  	s3 =	rddreg [dreg:$0x2];
	[bflag:$0x3] =	sbarrier.arrive $0xFFFF;
	s2 =	simm.s32 @!p0 $0x1C05  }
0x5b: {  	[timem:s3], [sflag:s2] =	dma.local @!p0 [hbm:s0], s1  }
0x5c: {  	s0 =	simm.s32 @!p0 $0x5  }
0x5d: {  	_ =	swait.ge @!p0 [sflag:s0], s1  }
0x5e: {  	s1 =	ssub.s32 @!p0 $0x0, s1;
	[sflag:s0] =	ssyncset.done @!p0 $0x0  }
0x5f: {  	[sflag:s0] =	ssyncadd.s32 @!p0 s1  }
0x60: {  	[bflag:$0x3] =	sbarrier.arrive $0xFFFF  }
0x61: {  	_ =	shalt  }

</sc_bundles>
